<compile_context>
chip_gen: v7x
topology: tpu7x:2x2x1
jax: 0.10.2.dev20260603
libtpu: 0.0.44.dev20260713+nightly
codegen_flags: <defaults>
</compile_context>

<pallas_src>
import functools
import math

import jax
import jax.numpy as jnp
from jax import lax
from jax.experimental import pallas as pl
from jax.experimental.pallas import tpu as pltpu
from jax.experimental.pallas import tpu_sc as plsc

B = 2
C = 256
H = 64
W = 64
A = 9
NC = 80
SCORE_THRESH = 0.05
NMS_THRESH = 0.5
TOPK = 1000
DETS = 300
IMG = 512
BBOX_CLAMP = math.log(1000.0 / 16.0)

HW = H * W
N = 1024
DPAD = 512


def _post_body(topv_ref, lab_in_ref, bx_ref, sco_ref, lab_ref,
               box_ref, m_ref):
    topv = topv_ref[0]
    labels_f = lab_in_ref[0]
    x1 = bx_ref[0, 0:1]
    y1 = bx_ref[0, 1:2]
    x2 = bx_ref[0, 2:3]
    y2 = bx_ref[0, 3:4]

    valid = topv > SCORE_THRESH

    neg_inf = jnp.float32(-jnp.inf)
    mx = jnp.max(jnp.where(valid, jnp.maximum(jnp.maximum(x1, x2),
                                              jnp.maximum(y1, y2)), neg_inf))
    offs = labels_f * (mx + 1.0)
    sx1, sy1, sx2, sy2 = x1 + offs, y1 + offs, x2 + offs, y2 + offs

    c1 = sx1.reshape(N, 1)
    r1 = sx1
    cy1 = sy1.reshape(N, 1)
    ry1 = sy1
    c2 = sx2.reshape(N, 1)
    r2 = sx2
    cy2 = sy2.reshape(N, 1)
    ry2 = sy2
    areas = (sx2 - sx1) * (sy2 - sy1)
    xx1 = jnp.maximum(c1, r1)
    yy1 = jnp.maximum(cy1, ry1)
    xx2 = jnp.minimum(c2, r2)
    yy2 = jnp.minimum(cy2, ry2)
    inter = jnp.maximum(0.0, xx2 - xx1) * jnp.maximum(0.0, yy2 - yy1)
    iou = inter / (areas.reshape(N, 1) + areas - inter + 1e-12)
    ii = lax.broadcasted_iota(jnp.int32, (N, N), 0)
    jj = lax.broadcasted_iota(jnp.int32, (N, N), 1)
    m_ref[...] = ((iou > NMS_THRESH) & (jj > ii)).astype(jnp.float32)

    idx_row = lax.broadcasted_iota(jnp.int32, (1, N), 1)
    supp0 = 1.0 - valid.astype(jnp.float32)

    def body(i, carry):
        supp, keep = carry
        e_i = (idx_row == i).astype(jnp.float32)
        act = 1.0 - jnp.sum(supp * e_i)
        keep = keep + act * e_i
        row = m_ref[pl.ds(i, 1), :]
        supp = jnp.maximum(supp, act * row)
        return supp, keep

    _, keep = lax.fori_loop(0, TOPK, body,
                            (supp0, jnp.zeros((1, N), jnp.float32)))

    lt = (ii <= jj).astype(jnp.float32)
    rank = jnp.dot(keep, lt, preferred_element_type=jnp.float32,
                   precision=lax.Precision.HIGHEST) - 1.0
    slot = lax.broadcasted_iota(jnp.int32, (1, DPAD), 1).astype(jnp.float32)
    onehot = ((rank.reshape(N, 1) == slot) &
              (keep.reshape(N, 1) > 0.5)).astype(jnp.float32)
    hp = lax.Precision.HIGHEST
    ones = jnp.ones((1, N), jnp.float32)
    stk = jnp.concatenate([topv_ref[0], lab_in_ref[0], ones,
                           x1, y1, x2, y2, ones], axis=0)
    res = jnp.dot(stk, onehot, preferred_element_type=jnp.float32,
                  precision=hp)
    filled = res[7:8]
    sco_ref[0] = res[0:1] + filled - 1.0
    lab_ref[0] = res[1:2] + filled - 1.0
    box_ref[0] = res[3:7]


def _post_call(topv, labf, boxes4):
    return pl.pallas_call(
        _post_body,
        grid=(B,),
        in_specs=[
            pl.BlockSpec((1, 1, N), lambda b: (b, 0, 0)),
            pl.BlockSpec((1, 1, N), lambda b: (b, 0, 0)),
            pl.BlockSpec((1, 4, N), lambda b: (b, 0, 0)),
        ],
        out_specs=[
            pl.BlockSpec((1, 1, DPAD), lambda b: (b, 0, 0)),
            pl.BlockSpec((1, 1, DPAD), lambda b: (b, 0, 0)),
            pl.BlockSpec((1, 4, DPAD), lambda b: (b, 0, 0)),
        ],
        out_shape=[
            jax.ShapeDtypeStruct((B, 1, DPAD), jnp.float32),
            jax.ShapeDtypeStruct((B, 1, DPAD), jnp.float32),
            jax.ShapeDtypeStruct((B, 4, DPAD), jnp.float32),
        ],
        scratch_shapes=[pltpu.VMEM((N, N), jnp.float32)],
    )(topv, labf, boxes4)


ROWD = 128


def _sc_gather(table, idx):
    info = plsc.get_sparse_core_info()
    ncores, nsub = info.num_cores, info.num_subcores
    nw = ncores * nsub
    total = idx.shape[0]
    per_w = total // nw
    mesh = plsc.VectorSubcoreMesh(core_axis_name="c", subcore_axis_name="s")

    @functools.partial(
        pl.kernel, mesh=mesh,
        out_type=jax.ShapeDtypeStruct((total, ROWD), jnp.float32),
        scratch_types=[
            pltpu.VMEM((per_w,), jnp.int32),
            pltpu.VMEM((per_w, ROWD), jnp.float32),
            pltpu.SemaphoreType.DMA,
        ],
    )
    def k(table_hbm, idx_hbm, out_hbm, idx_v, rows_v, sem):
        wid = lax.axis_index("s") * ncores + lax.axis_index("c")
        base = wid * per_w
        pltpu.sync_copy(idx_hbm.at[pl.ds(base, per_w)], idx_v)
        pltpu.async_copy(table_hbm.at[idx_v], rows_v, sem).wait()
        pltpu.sync_copy(rows_v, out_hbm.at[pl.ds(base, per_w)])

    return k(table, idx)


def _conv(x, w, b):
    y = lax.conv_general_dilated(x, w, (1, 1), 'SAME',
                                 dimension_numbers=('NCHW', 'OIHW', 'NCHW'))
    return y + b[None, :, None, None]


def kernel(features, anchors, cls_conv_w, cls_conv_b, cls_out_w, cls_out_b,
           reg_conv_w, reg_conv_b, reg_out_w, reg_out_b):
    t = features
    for i in range(4):
        t = jax.nn.relu(_conv(t, cls_conv_w[i], cls_conv_b[i]))
    logits = _conv(t, cls_out_w, cls_out_b)
    logits = logits.reshape(B, A, NC, H, W).transpose(0, 3, 4, 1, 2)
    t = features
    for i in range(4):
        t = jax.nn.relu(_conv(t, reg_conv_w[i], reg_conv_b[i]))
    reg = _conv(t, reg_out_w, reg_out_b)
    reg = reg.reshape(B, A, 4, H, W).transpose(0, 3, 4, 1, 2).reshape(B, -1, 4)

    scores = jax.nn.sigmoid(logits).reshape(B, -1)

    topv, topi = lax.top_k(scores, TOPK)
    topv = jnp.concatenate(
        [topv, jnp.full((B, N - TOPK), -1.0, jnp.float32)], axis=1)
    topi = jnp.concatenate(
        [topi, jnp.zeros((B, N - TOPK), topi.dtype)], axis=1)
    aidx = topi // NC
    labf = (topi % NC).astype(jnp.float32)
    table = jnp.concatenate(
        [reg.reshape(B, HW * A, 4),
         jnp.broadcast_to(anchors[None], (B, HW * A, 4)),
         jnp.zeros((B, HW * A, ROWD - 8), jnp.float32)],
        axis=2).reshape(B * HW * A, ROWD)
    img_off = (jnp.arange(B, dtype=jnp.int32) * (HW * A))[:, None]
    flat_idx = (aidx + img_off).reshape(B * N)
    rows = _sc_gather(table, flat_idx).reshape(B, N, ROWD)
    reg_g = rows[:, :, 0:4]
    anc_g = rows[:, :, 4:8]
    widths = anc_g[:, :, 2] - anc_g[:, :, 0]
    heights = anc_g[:, :, 3] - anc_g[:, :, 1]
    ctr_x = anc_g[:, :, 0] + 0.5 * widths
    ctr_y = anc_g[:, :, 1] + 0.5 * heights
    dxv, dyv = reg_g[:, :, 0], reg_g[:, :, 1]
    dwv = jnp.minimum(reg_g[:, :, 2], BBOX_CLAMP)
    dhv = jnp.minimum(reg_g[:, :, 3], BBOX_CLAMP)
    pcx = dxv * widths + ctr_x
    pcy = dyv * heights + ctr_y
    pw = jnp.exp(dwv) * widths
    ph = jnp.exp(dhv) * heights
    boxes4 = jnp.clip(
        jnp.stack([pcx - 0.5 * pw, pcy - 0.5 * ph,
                   pcx + 0.5 * pw, pcy + 0.5 * ph], axis=1),
        0.0, float(IMG))

    sco, lab, box = _post_call(topv.reshape(B, 1, N), labf.reshape(B, 1, N),
                               boxes4)

    out_scores = sco[:, 0, :DETS]
    out_labels = lab[:, 0, :DETS].astype(jnp.int32)
    out_boxes = jnp.transpose(box[:, :, :DETS], (0, 2, 1))
    return (out_scores, out_labels, out_boxes)

# --- scband reference (transcript-rebuilt; emitter-appended) ---
"""Pipeline reference for scband-retina-net-heads-56212531970623 (READ-ONLY COPY).

The authoritative reference and input builder live on the scoring server;
editing this copy changes nothing except your own understanding.
"""

import math
import jax
import jax.numpy as jnp
import numpy as np

B = 2
C = 256
H = 64
W = 64
A = 9
NC = 80
SCORE_THRESH = 0.05
NMS_THRESH = 0.5
TOPK = 1000
DETS = 300
IMG = 512
BBOX_CLAMP = math.log(1000.0 / 16.0)


def _make_anchors():
    stride = 8.0
    scales = [32.0, 40.3, 50.8]
    ratios = [0.5, 1.0, 2.0]
    ws, hs = [], []
    for s in scales:
        for r in ratios:
            ws.append(s * math.sqrt(1.0 / r))
            hs.append(s * math.sqrt(r))
    ws = np.array(ws, dtype=np.float32)
    hs = np.array(hs, dtype=np.float32)
    sx = (np.arange(W, dtype=np.float32) + 0.5) * stride
    sy = (np.arange(H, dtype=np.float32) + 0.5) * stride
    cy, cx = np.meshgrid(sy, sx, indexing='ij')
    cx = cx.reshape(-1)
    cy = cy.reshape(-1)
    x1 = cx[:, None] - 0.5 * ws[None, :]
    y1 = cy[:, None] - 0.5 * hs[None, :]
    x2 = cx[:, None] + 0.5 * ws[None, :]
    y2 = cy[:, None] + 0.5 * hs[None, :]
    anc = np.stack([x1, y1, x2, y2], axis=-1).reshape(-1, 4)
    return jnp.asarray(anc, dtype=jnp.float32)


def setup_inputs(seed: int = 0):
    key = jax.random.key(seed)
    ks = jax.random.split(key, 8)
    std = 0.03
    features = jax.random.normal(ks[0], (B, C, H, W), dtype=jnp.float32)
    anchors = _make_anchors()
    cls_conv_w = jax.random.normal(ks[1], (4, C, C, 3, 3), dtype=jnp.float32) * std
    cls_conv_b = jnp.zeros((4, C), dtype=jnp.float32)
    cls_out_w = jax.random.normal(ks[2], (A * NC, C, 3, 3), dtype=jnp.float32) * std
    cls_out_b = jnp.full((A * NC,), -math.log((1.0 - 0.01) / 0.01), dtype=jnp.float32)
    reg_conv_w = jax.random.normal(ks[3], (4, C, C, 3, 3), dtype=jnp.float32) * std
    reg_conv_b = jnp.zeros((4, C), dtype=jnp.float32)
    reg_out_w = jax.random.normal(ks[4], (A * 4, C, 3, 3), dtype=jnp.float32) * std
    reg_out_b = jnp.zeros((A * 4,), dtype=jnp.float32)
    return {"features": features, "anchors": anchors,
            "cls_conv_w": cls_conv_w, "cls_conv_b": cls_conv_b,
            "cls_out_w": cls_out_w, "cls_out_b": cls_out_b,
            "reg_conv_w": reg_conv_w, "reg_conv_b": reg_conv_b,
            "reg_out_w": reg_out_w, "reg_out_b": reg_out_b}


def _conv(x, w, b):
    y = jax.lax.conv_general_dilated(x, w, (1, 1), 'SAME',
                                     dimension_numbers=('NCHW', 'OIHW', 'NCHW'))
    return y + b[None, :, None, None]


def _heads(features, cls_conv_w, cls_conv_b, cls_out_w, cls_out_b,
           reg_conv_w, reg_conv_b, reg_out_w, reg_out_b):
    n = features.shape[0]
    t = features
    for i in range(4):
        t = jax.nn.relu(_conv(t, cls_conv_w[i], cls_conv_b[i]))
    logits = _conv(t, cls_out_w, cls_out_b)
    logits = logits.reshape(n, A, NC, H, W).transpose(0, 3, 4, 1, 2).reshape(n, -1, NC)
    t = features
    for i in range(4):
        t = jax.nn.relu(_conv(t, reg_conv_w[i], reg_conv_b[i]))
    reg = _conv(t, reg_out_w, reg_out_b)
    reg = reg.reshape(n, A, 4, H, W).transpose(0, 3, 4, 1, 2).reshape(n, -1, 4)
    return logits, reg


def _decode(rel, anc):
    widths = anc[:, 2] - anc[:, 0]
    heights = anc[:, 3] - anc[:, 1]
    ctr_x = anc[:, 0] + 0.5 * widths
    ctr_y = anc[:, 1] + 0.5 * heights
    dx, dy, dw, dh = rel[:, 0], rel[:, 1], rel[:, 2], rel[:, 3]
    dw = jnp.minimum(dw, BBOX_CLAMP)
    dh = jnp.minimum(dh, BBOX_CLAMP)
    pcx = dx * widths + ctr_x
    pcy = dy * heights + ctr_y
    pw = jnp.exp(dw) * widths
    ph = jnp.exp(dh) * heights
    return jnp.stack([pcx - 0.5 * pw, pcy - 0.5 * ph,
                      pcx + 0.5 * pw, pcy + 0.5 * ph], axis=1)


def _nms_np(boxes, scores, thresh):
    x1, y1, x2, y2 = boxes[:, 0], boxes[:, 1], boxes[:, 2], boxes[:, 3]
    areas = (x2 - x1) * (y2 - y1)
    order = np.argsort(-scores, kind='stable')
    keep = []
    while order.size > 0:
        i = order[0]
        keep.append(i)
        if order.size == 1:
            break
        rest = order[1:]
        xx1 = np.maximum(x1[i], x1[rest])
        yy1 = np.maximum(y1[i], y1[rest])
        xx2 = np.minimum(x2[i], x2[rest])
        yy2 = np.minimum(y2[i], y2[rest])
        inter = np.maximum(0.0, xx2 - xx1) * np.maximum(0.0, yy2 - yy1)
        iou = inter / (areas[i] + areas[rest] - inter + 1e-12)
        order = rest[iou <= thresh]
    return np.array(keep, dtype=np.int64)


def _nms_fixed(boxes, valid, thresh):
    n = boxes.shape[0]
    x1, y1, x2, y2 = boxes[:, 0], boxes[:, 1], boxes[:, 2], boxes[:, 3]
    areas = (x2 - x1) * (y2 - y1)
    idx = jnp.arange(n)

    def body(i, carry):
        suppressed, keep = carry
        active = jnp.logical_not(suppressed[i])
        keep = keep.at[i].set(active)
        xx1 = jnp.maximum(x1[i], x1)
        yy1 = jnp.maximum(y1[i], y1)
        xx2 = jnp.minimum(x2[i], x2)
        yy2 = jnp.minimum(y2[i], y2)
        inter = jnp.maximum(0.0, xx2 - xx1) * jnp.maximum(0.0, yy2 - yy1)
        iou = inter / (areas[i] + areas - inter + 1e-12)
        suppressed = suppressed | (active & (idx > i) & (iou > thresh))
        return suppressed, keep

    suppressed0 = jnp.logical_not(valid)
    keep0 = jnp.zeros((n,), dtype=bool)
    _, keep = jax.lax.fori_loop(0, n, body, (suppressed0, keep0))
    return keep


def reference(features, anchors, cls_conv_w, cls_conv_b, cls_out_w, cls_out_b,
              reg_conv_w, reg_conv_b, reg_out_w, reg_out_b):
    logits, reg = _heads(features, cls_conv_w, cls_conv_b, cls_out_w, cls_out_b,
                         reg_conv_w, reg_conv_b, reg_out_w, reg_out_b)
    out_scores, out_labels, out_boxes = [], [], []
    for i in range(logits.shape[0]):
        sc = jax.nn.sigmoid(logits[i]).reshape(-1)
        topv, topi = jax.lax.top_k(sc, TOPK)
        valid = topv > SCORE_THRESH
        keep = topi.astype(jnp.int64)
        labels = keep % NC
        aidx = keep // NC
        boxes = _decode(reg[i][aidx], anchors[aidx])
        boxes = jnp.clip(boxes, 0.0, float(IMG))
        mx = jnp.max(jnp.where(valid[:, None], boxes, -jnp.inf))
        offs = labels.astype(jnp.float32) * (mx + 1.0)
        keep_mask = _nms_fixed(boxes + offs[:, None], valid, NMS_THRESH)
        rank = jnp.cumsum(keep_mask) - 1
        dst = jnp.where(keep_mask & (rank < DETS), rank, DETS)
        ps = jnp.full((DETS,), -1.0, jnp.float32).at[dst].set(topv, mode='drop')
        pl = jnp.full((DETS,), -1, labels.dtype).at[dst].set(labels, mode='drop')
        pb = jnp.zeros((DETS, 4), jnp.float32).at[dst].set(boxes, mode='drop')
        out_scores.append(ps)
        out_labels.append(pl)
        out_boxes.append(pb)
    return (jnp.stack(out_scores), jnp.stack(out_labels), jnp.stack(out_boxes))

if __name__ == "__main__":
    import jax
    _d = setup_inputs()
    print(jax.jit(kernel)(*tuple(_d.values())))

</pallas_src>

<mosaic_0001>
#map = affine_map<(d0, d1) -> (0, 0)>
#map1 = affine_map<(d0, d1) -> (0)>
module attributes {stable_mosaic.version = 14 : i64} {
  func.func @k(%arg0: i32, %arg1: i32, %arg2: memref<73728x128xf32, #tpu.memory_space<hbm>>, %arg3: memref<2048xi32, #tpu.memory_space<hbm>>, %arg4: memref<2048x128xf32, #tpu.memory_space<hbm>>, %arg5: memref<64xi32, #tpu.memory_space<vmem>>, %arg6: memref<64x128xf32, #tpu.memory_space<vmem>>, %arg7: memref<!tpu.dma_semaphore, #tpu.memory_space<semaphore_mem>>) attributes {dimension_semantics = [#tpu.dimension_semantics<core_parallel>, #tpu.dimension_semantics<subcore_parallel>], iteration_bounds = array<i64: 2, 16>, scalar_prefetch = 0 : i64, scratch_operands = 3 : i64, tpu.core_type = #tpu.core_type<sc_vector_subcore>, window_params = [{transform_indices = #map}, {transform_indices = #map1}, {transform_indices = #map}]} {
    %mul3A = arith.constant 2 : i32
    %mul3A_0 = arith.muli %arg1, %mul3A : i32
    %add3A = arith.addi %mul3A_0, %arg0 : i32
    %mul3A_1 = arith.constant 64 : i32
    %mul3A_2 = arith.muli %add3A, %mul3A_1 : i32
    "tpu.region"() ({
      %run_scoped3A = tpu.sem_alloc : memref<!tpu.dma_semaphore, #tpu.memory_space<semaphore_mem>>
      %dma_start3A_7 = tpu.memref_slice %arg3[%mul3A_2] : memref<2048xi32, #tpu.memory_space<hbm>> -> memref<64xi32, #tpu.memory_space<hbm>>
      %dma_start3A_8 = tpu.memref_slice %arg3[%mul3A_2] : memref<2048xi32, #tpu.memory_space<hbm>> -> memref<64xi32, #tpu.memory_space<hbm>>
      tpu.enqueue_dma source(%dma_start3A_8 : memref<64xi32, #tpu.memory_space<hbm>>) target(%arg5 : memref<64xi32, #tpu.memory_space<vmem>>) target_semaphore(%run_scoped3A : memref<!tpu.dma_semaphore, #tpu.memory_space<semaphore_mem>>)
      %dma_wait3A_9 = tpu.memref_slice %arg3[%mul3A_2] : memref<2048xi32, #tpu.memory_space<hbm>> -> memref<64xi32, #tpu.memory_space<hbm>>
      %dma_wait3A_10 = tpu.memref_slice %arg3[%mul3A_2] : memref<2048xi32, #tpu.memory_space<hbm>> -> memref<64xi32, #tpu.memory_space<hbm>>
      tpu.wait_dma2 semaphore(%run_scoped3A : memref<!tpu.dma_semaphore, #tpu.memory_space<semaphore_mem>>) src(%dma_wait3A_10 : memref<64xi32, #tpu.memory_space<hbm>>) dst(%arg5 : memref<64xi32, #tpu.memory_space<vmem>>)
      tpu.yield
    }) : () -> ()
    %dma_start3A = arith.constant 0 : i32
    %dma_start3A_3 = arith.constant 0 : i32
    %dma_start3A_4 = tpu.memref_slice %arg2[%dma_start3A, %dma_start3A_3] : memref<73728x128xf32, #tpu.memory_space<hbm>> -> memref<73728x128xf32, #tpu.memory_space<hbm>>
    tpu.enqueue_indirect_dma source(%dma_start3A_4 : memref<73728x128xf32, #tpu.memory_space<hbm>>) target(%arg6 : memref<64x128xf32, #tpu.memory_space<vmem>>) offsets(%arg5 : memref<64xi32, #tpu.memory_space<vmem>>) semaphore(%arg7 : memref<!tpu.dma_semaphore, #tpu.memory_space<semaphore_mem>>)
    %dma_wait3A = arith.constant 0 : i32
    %dma_wait3A_5 = arith.constant 0 : i32
    %dma_wait3A_6 = tpu.memref_slice %arg2[%dma_wait3A, %dma_wait3A_5] : memref<73728x128xf32, #tpu.memory_space<hbm>> -> memref<73728x128xf32, #tpu.memory_space<hbm>>
    tpu.wait_indirect_dma semaphore(%arg7 : memref<!tpu.dma_semaphore, #tpu.memory_space<semaphore_mem>>) src(%dma_wait3A_6 : memref<73728x128xf32, #tpu.memory_space<hbm>>) dst(%arg6 : memref<64x128xf32, #tpu.memory_space<vmem>>)
    "tpu.region"() ({
      %run_scoped3A = tpu.sem_alloc : memref<!tpu.dma_semaphore, #tpu.memory_space<semaphore_mem>>
      %dma_start3A_7 = arith.constant 0 : i32
      %dma_start3A_8 = tpu.memref_slice %arg4[%mul3A_2, %dma_start3A_7] : memref<2048x128xf32, #tpu.memory_space<hbm>> -> memref<64x128xf32, #tpu.memory_space<hbm>>
      %dma_start3A_9 = arith.constant 0 : i32
      %dma_start3A_10 = tpu.memref_slice %arg4[%mul3A_2, %dma_start3A_9] : memref<2048x128xf32, #tpu.memory_space<hbm>> -> memref<64x128xf32, #tpu.memory_space<hbm>>
      tpu.enqueue_dma source(%arg6 : memref<64x128xf32, #tpu.memory_space<vmem>>) target(%dma_start3A_10 : memref<64x128xf32, #tpu.memory_space<hbm>>) target_semaphore(%run_scoped3A : memref<!tpu.dma_semaphore, #tpu.memory_space<semaphore_mem>>)
      %dma_wait3A_11 = arith.constant 0 : i32
      %dma_wait3A_12 = tpu.memref_slice %arg4[%mul3A_2, %dma_wait3A_11] : memref<2048x128xf32, #tpu.memory_space<hbm>> -> memref<64x128xf32, #tpu.memory_space<hbm>>
      %dma_wait3A_13 = arith.constant 0 : i32
      %dma_wait3A_14 = tpu.memref_slice %arg4[%mul3A_2, %dma_wait3A_13] : memref<2048x128xf32, #tpu.memory_space<hbm>> -> memref<64x128xf32, #tpu.memory_space<hbm>>
      tpu.wait_dma2 semaphore(%run_scoped3A : memref<!tpu.dma_semaphore, #tpu.memory_space<semaphore_mem>>) src(%arg6 : memref<64x128xf32, #tpu.memory_space<vmem>>) dst(%dma_wait3A_14 : memref<64x128xf32, #tpu.memory_space<hbm>>)
      tpu.yield
    }) : () -> ()
    return
  }
}

module attributes {stable_mosaic.version = 14 : i64} {
  func.func @_post_body(%arg0: i32, %arg1: memref<1x1x1024xf32, #tpu.memory_space<vmem>>, %arg2: memref<1x1x1024xf32, #tpu.memory_space<vmem>>, %arg3: memref<1x4x1024xf32, #tpu.memory_space<vmem>>, %arg4: memref<1x1x512xf32, #tpu.memory_space<vmem>>, %arg5: memref<1x1x512xf32, #tpu.memory_space<vmem>>, %arg6: memref<1x4x512xf32, #tpu.memory_space<vmem>>, %arg7: memref<1024x1024xf32, #tpu.memory_space<vmem>>) attributes {dimension_semantics = [#tpu.dimension_semantics<arbitrary>], iteration_bounds = array<i64: 2>, scalar_prefetch = 0 : i64, scratch_operands = 1 : i64, tpu.core_type = #tpu.core_type<tc>, window_params = [{transform_indices = @transform_0, window_bounds = array<i64: 1, 1, 1024>}, {transform_indices = @transform_1, window_bounds = array<i64: 1, 1, 1024>}, {transform_indices = @transform_2, window_bounds = array<i64: 1, 4, 1024>}, {transform_indices = @transform_3, window_bounds = array<i64: 1, 1, 512>}, {transform_indices = @transform_4, window_bounds = array<i64: 1, 1, 512>}, {transform_indices = @transform_5, window_bounds = array<i64: 1, 4, 512>}]} {
    %get3A = arith.constant 0 : index
    %get3A_0 = arith.constant 0 : index
    %get3A_1 = arith.constant 0 : index
    %get3A_2 = vector.load %arg1[%get3A, %get3A_0, %get3A_1] : memref<1x1x1024xf32, #tpu.memory_space<vmem>>, vector<1x1x1024xf32>
    %get3A_3 = vector.shape_cast %get3A_2 : vector<1x1x1024xf32> to vector<1x1024xf32>
    %get3A_4 = arith.constant 0 : index
    %get3A_5 = arith.constant 0 : index
    %get3A_6 = arith.constant 0 : index
    %get3A_7 = vector.load %arg2[%get3A_4, %get3A_5, %get3A_6] : memref<1x1x1024xf32, #tpu.memory_space<vmem>>, vector<1x1x1024xf32>
    %get3A_8 = vector.shape_cast %get3A_7 : vector<1x1x1024xf32> to vector<1x1024xf32>
    %get3A_9 = arith.constant 0 : index
    %get3A_10 = arith.constant 0 : index
    %get3A_11 = arith.constant 0 : index
    %get3A_12 = vector.load %arg3[%get3A_9, %get3A_10, %get3A_11] : memref<1x4x1024xf32, #tpu.memory_space<vmem>>, vector<1x1x1024xf32>
    %get3A_13 = vector.shape_cast %get3A_12 : vector<1x1x1024xf32> to vector<1x1024xf32>
    %get3A_14 = arith.constant 0 : index
    %get3A_15 = arith.constant 1 : index
    %get3A_16 = arith.constant 0 : index
    %get3A_17 = vector.load %arg3[%get3A_14, %get3A_15, %get3A_16] : memref<1x4x1024xf32, #tpu.memory_space<vmem>>, vector<1x1x1024xf32>
    %get3A_18 = vector.shape_cast %get3A_17 : vector<1x1x1024xf32> to vector<1x1024xf32>
    %get3A_19 = arith.constant 0 : index
    %get3A_20 = arith.constant 2 : index
    %get3A_21 = arith.constant 0 : index
    %get3A_22 = vector.load %arg3[%get3A_19, %get3A_20, %get3A_21] : memref<1x4x1024xf32, #tpu.memory_space<vmem>>, vector<1x1x1024xf32>
    %get3A_23 = vector.shape_cast %get3A_22 : vector<1x1x1024xf32> to vector<1x1024xf32>
    %get3A_24 = arith.constant 0 : index
    %get3A_25 = arith.constant 3 : index
    %get3A_26 = arith.constant 0 : index
    %get3A_27 = vector.load %arg3[%get3A_24, %get3A_25, %get3A_26] : memref<1x4x1024xf32, #tpu.memory_space<vmem>>, vector<1x1x1024xf32>
    %get3A_28 = vector.shape_cast %get3A_27 : vector<1x1x1024xf32> to vector<1x1024xf32>
    %gt3A = arith.constant 5.000000e-02 : f32
    %gt3A_29 = vector.broadcast %gt3A : f32 to vector<1x1024xf32>
    %gt3A_30 = arith.cmpf ogt, %get3A_3, %gt3A_29 : vector<1x1024xf32>
    %max3A = arith.maximumf %get3A_13, %get3A_23 : vector<1x1024xf32>
    %max3A_31 = arith.maximumf %get3A_18, %get3A_28 : vector<1x1024xf32>
    %max3A_32 = arith.maximumf %max3A, %max3A_31 : vector<1x1024xf32>
    %jit3A = arith.constant 0xFF800000 : f32
    %broadcast_in_dim3A = vector.broadcast %jit3A : f32 to vector<1x1024xf32>
    %select_n3A = arith.select %gt3A_30, %max3A_32, %broadcast_in_dim3A : vector<1x1024xi1>, vector<1x1024xf32>
    %reduce_max3A = vector.shape_cast %select_n3A : vector<1x1024xf32> to vector<1x1x1024xf32>
    %reduce_max3A_33 = arith.constant dense<0xFF800000> : vector<1xf32>
    %reduce_max3A_34 = vector.multi_reduction <maximumf>, %reduce_max3A, %reduce_max3A_33 [1, 2] : vector<1x1x1024xf32> to vector<1xf32>
    %reduce_max3A_35 = vector.shape_cast %reduce_max3A_34 : vector<1xf32> to vector<1x1x1xf32>
    %reduce_max3A_36 = vector.extract %reduce_max3A_35[0, 0, 0] : f32 from vector<1x1x1xf32>
    %add3A = arith.constant 1.000000e+00 : f32
    %add3A_37 = arith.addf %reduce_max3A_36, %add3A : f32
    %mul3A = vector.broadcast %add3A_37 : f32 to vector<1x1024xf32>
    %mul3A_38 = arith.mulf %get3A_8, %mul3A : vector<1x1024xf32>
    %add3A_39 = arith.addf %get3A_13, %mul3A_38 : vector<1x1024xf32>
    %add3A_40 = arith.addf %get3A_18, %mul3A_38 : vector<1x1024xf32>
    %add3A_41 = arith.addf %get3A_23, %mul3A_38 : vector<1x1024xf32>
    %add3A_42 = arith.addf %get3A_28, %mul3A_38 : vector<1x1024xf32>
    %reshape3A = vector.shape_cast %add3A_39 : vector<1x1024xf32> to vector<1024x1xf32>
    %reshape3A_43 = vector.shape_cast %add3A_40 : vector<1x1024xf32> to vector<1024x1xf32>
    %reshape3A_44 = vector.shape_cast %add3A_41 : vector<1x1024xf32> to vector<1024x1xf32>
    %reshape3A_45 = vector.shape_cast %add3A_42 : vector<1x1024xf32> to vector<1024x1xf32>
    %sub3A = arith.subf %add3A_41, %add3A_39 : vector<1x1024xf32>
    %sub3A_46 = arith.subf %add3A_42, %add3A_40 : vector<1x1024xf32>
    %mul3A_47 = arith.mulf %sub3A, %sub3A_46 : vector<1x1024xf32>
    %max3A_48 = vector.broadcast %reshape3A : vector<1024x1xf32> to vector<1024x1024xf32>
    %max3A_49 = vector.broadcast %add3A_39 : vector<1x1024xf32> to vector<1024x1024xf32>
    %max3A_50 = arith.maximumf %max3A_48, %max3A_49 : vector<1024x1024xf32>
    %max3A_51 = vector.broadcast %reshape3A_43 : vector<1024x1xf32> to vector<1024x1024xf32>
    %max3A_52 = vector.broadcast %add3A_40 : vector<1x1024xf32> to vector<1024x1024xf32>
    %max3A_53 = arith.maximumf %max3A_51, %max3A_52 : vector<1024x1024xf32>
    %min3A = vector.broadcast %reshape3A_44 : vector<1024x1xf32> to vector<1024x1024xf32>
    %min3A_54 = vector.broadcast %add3A_41 : vector<1x1024xf32> to vector<1024x1024xf32>
    %min3A_55 = arith.minimumf %min3A, %min3A_54 : vector<1024x1024xf32>
    %min3A_56 = vector.broadcast %reshape3A_45 : vector<1024x1xf32> to vector<1024x1024xf32>
    %min3A_57 = vector.broadcast %add3A_42 : vector<1x1024xf32> to vector<1024x1024xf32>
    %min3A_58 = arith.minimumf %min3A_56, %min3A_57 : vector<1024x1024xf32>
    %sub3A_59 = arith.subf %min3A_55, %max3A_50 : vector<1024x1024xf32>
    %max3A_60 = arith.constant 0.000000e+00 : f32
    %max3A_61 = vector.broadcast %max3A_60 : f32 to vector<1024x1024xf32>
    %max3A_62 = arith.maximumf %max3A_61, %sub3A_59 : vector<1024x1024xf32>
    %sub3A_63 = arith.subf %min3A_58, %max3A_53 : vector<1024x1024xf32>
    %max3A_64 = arith.constant 0.000000e+00 : f32
    %max3A_65 = vector.broadcast %max3A_64 : f32 to vector<1024x1024xf32>
    %max3A_66 = arith.maximumf %max3A_65, %sub3A_63 : vector<1024x1024xf32>
    %mul3A_67 = arith.mulf %max3A_62, %max3A_66 : vector<1024x1024xf32>
    %reshape3A_68 = vector.shape_cast %mul3A_47 : vector<1x1024xf32> to vector<1024x1xf32>
    %add3A_69 = vector.broadcast %reshape3A_68 : vector<1024x1xf32> to vector<1024x1024xf32>
    %add3A_70 = vector.broadcast %mul3A_47 : vector<1x1024xf32> to vector<1024x1024xf32>
    %add3A_71 = arith.addf %add3A_69, %add3A_70 : vector<1024x1024xf32>
    %sub3A_72 = arith.subf %add3A_71, %mul3A_67 : vector<1024x1024xf32>
    %add3A_73 = arith.constant 9.99999996E-13 : f32
    %add3A_74 = vector.broadcast %add3A_73 : f32 to vector<1024x1024xf32>
    %add3A_75 = arith.addf %sub3A_72, %add3A_74 : vector<1024x1024xf32>
    %div3A = arith.divf %mul3A_67, %add3A_75 : vector<1024x1024xf32>
    %iota3A = tpu.iota {dimensions = array<i32: 0>} : vector<1024x1024xi32>
    %iota3A_76 = tpu.iota {dimensions = array<i32: 1>} : vector<1024x1024xi32>
    %gt3A_77 = arith.constant 5.000000e-01 : f32
    %gt3A_78 = vector.broadcast %gt3A_77 : f32 to vector<1024x1024xf32>
    %gt3A_79 = arith.cmpf ogt, %div3A, %gt3A_78 : vector<1024x1024xf32>
    %gt3A_80 = arith.cmpi sgt, %iota3A_76, %iota3A : vector<1024x1024xi32>
    %and3A = arith.andi %gt3A_79, %gt3A_80 : vector<1024x1024xi1>
    %convert_element_type3A = arith.extui %and3A : vector<1024x1024xi1> to vector<1024x1024xi32>
    %convert_element_type3A_81 = arith.sitofp %convert_element_type3A : vector<1024x1024xi32> to vector<1024x1024xf32>
    %swap3A = arith.constant 0 : index
    %swap3A_82 = arith.constant 0 : index
    %swap3A_83 = vector.load %arg7[%swap3A, %swap3A_82] : memref<1024x1024xf32, #tpu.memory_space<vmem>>, vector<1024x1024xf32>
    tpu.vector_store %arg7[%swap3A, %swap3A_82], %convert_element_type3A_81 {strides = array<i32>} : memref<1024x1024xf32, #tpu.memory_space<vmem>>, vector<1024x1024xf32>,
    %iota3A_84 = tpu.iota {dimensions = array<i32: 1>} : vector<1x1024xi32>
    %convert_element_type3A_85 = arith.extui %gt3A_30 : vector<1x1024xi1> to vector<1x1024xi32>
    %convert_element_type3A_86 = arith.sitofp %convert_element_type3A_85 : vector<1x1024xi32> to vector<1x1024xf32>
    %sub3A_87 = arith.constant 1.000000e+00 : f32
    %sub3A_88 = vector.broadcast %sub3A_87 : f32 to vector<1x1024xf32>
    %sub3A_89 = arith.subf %sub3A_88, %convert_element_type3A_86 : vector<1x1024xf32>
    %broadcast_in_dim3A_90 = arith.constant 0.000000e+00 : f32
    %broadcast_in_dim3A_91 = vector.broadcast %broadcast_in_dim3A_90 : f32 to vector<1x1024xf32>
    %scan3A = arith.constant 0 : i32
    %scan3A_92 = arith.constant 1000 : i32
    %scan3A_93 = arith.addi %scan3A, %scan3A_92 : i32
    %scan3A_94 = arith.constant 1 : i32
    %scan3A_95:2 = scf.for %scan3A_159 = %scan3A to %scan3A_93 step %scan3A_94 iter_args(%scan3A_160 = %sub3A_89, %scan3A_161 = %broadcast_in_dim3A_91) -> (vector<1x1024xf32>, vector<1x1024xf32>)  : i32 {
      %eq3A_162 = vector.broadcast %scan3A_159 : i32 to vector<1x1024xi32>
      %eq3A_163 = arith.cmpi eq, %iota3A_84, %eq3A_162 : vector<1x1024xi32>
      %convert_element_type3A_164 = arith.extui %eq3A_163 : vector<1x1024xi1> to vector<1x1024xi32>
      %convert_element_type3A_165 = arith.sitofp %convert_element_type3A_164 : vector<1x1024xi32> to vector<1x1024xf32>
      %mul3A_166 = arith.mulf %scan3A_160, %convert_element_type3A_165 : vector<1x1024xf32>
      %reduce_sum3A = vector.shape_cast %mul3A_166 : vector<1x1024xf32> to vector<1x1x1024xf32>
      %reduce_sum3A_167 = arith.constant dense<0.000000e+00> : vector<1xf32>
      %reduce_sum3A_168 = vector.multi_reduction <add>, %reduce_sum3A, %reduce_sum3A_167 [1, 2] : vector<1x1x1024xf32> to vector<1xf32>
      %reduce_sum3A_169 = vector.shape_cast %reduce_sum3A_168 : vector<1xf32> to vector<1x1x1xf32>
      %reduce_sum3A_170 = vector.extract %reduce_sum3A_169[0, 0, 0] : f32 from vector<1x1x1xf32>
      %sub3A_171 = arith.constant 1.000000e+00 : f32
      %sub3A_172 = arith.subf %sub3A_171, %reduce_sum3A_170 : f32
      %mul3A_173 = vector.broadcast %sub3A_172 : f32 to vector<1x1024xf32>
      %mul3A_174 = arith.mulf %mul3A_173, %convert_element_type3A_165 : vector<1x1024xf32>
      %add3A_175 = arith.addf %scan3A_161, %mul3A_174 : vector<1x1024xf32>
      %get3A_176 = arith.index_cast %scan3A_159 : i32 to index
      %get3A_177 = arith.constant 0 : index
      %get3A_178 = vector.load %arg7[%get3A_176, %get3A_177] : memref<1024x1024xf32, #tpu.memory_space<vmem>>, vector<1x1024xf32>
      %mul3A_179 = vector.broadcast %sub3A_172 : f32 to vector<1x1024xf32>
      %mul3A_180 = arith.mulf %mul3A_179, %get3A_178 : vector<1x1024xf32>
      %max3A_181 = arith.maximumf %scan3A_160, %mul3A_180 : vector<1x1024xf32>
      scf.yield %max3A_181, %add3A_175 : vector<1x1024xf32>, vector<1x1024xf32>
    }
    %scan3A_96 = arith.constant 1000 : i32
    %le3A = arith.cmpi sle, %iota3A, %iota3A_76 : vector<1024x1024xi32>
    %convert_element_type3A_97 = arith.extui %le3A : vector<1024x1024xi1> to vector<1024x1024xi32>
    %convert_element_type3A_98 = arith.sitofp %convert_element_type3A_97 : vector<1024x1024xi32> to vector<1024x1024xf32>
    %dot_general3A = arith.constant dense<0.000000e+00> : vector<1x1024xf32>
    %dot_general3A_99 = tpu.matmul %scan3A_95#1, %convert_element_type3A_98, %dot_general3A {dimension_numbers = #tpu.dot_dimension_numbers<[1], [0], [0], [1], [0, 0, 1, 1], [], []>, precision = #tpu.contract_precision<fp32>, transpose_lhs_hint = false} : vector<1x1024xf32>, vector<1024x1024xf32>, vector<1x1024xf32> -> vector<1x1024xf32>
    %sub3A_100 = arith.constant 1.000000e+00 : f32
    %sub3A_101 = vector.broadcast %sub3A_100 : f32 to vector<1x1024xf32>
    %sub3A_102 = arith.subf %dot_general3A_99, %sub3A_101 : vector<1x1024xf32>
    %iota3A_103 = tpu.iota {dimensions = array<i32: 1>} : vector<1x512xi32>
    %convert_element_type3A_104 = arith.sitofp %iota3A_103 : vector<1x512xi32> to vector<1x512xf32>
    %reshape3A_105 = vector.shape_cast %sub3A_102 : vector<1x1024xf32> to vector<1024x1xf32>
    %eq3A = vector.broadcast %reshape3A_105 : vector<1024x1xf32> to vector<1024x512xf32>
    %eq3A_106 = vector.broadcast %convert_element_type3A_104 : vector<1x512xf32> to vector<1024x512xf32>
    %eq3A_107 = arith.cmpf oeq, %eq3A, %eq3A_106 : vector<1024x512xf32>
    %reshape3A_108 = vector.shape_cast %scan3A_95#1 : vector<1x1024xf32> to vector<1024x1xf32>
    %gt3A_109 = arith.constant 5.000000e-01 : f32
    %gt3A_110 = vector.broadcast %gt3A_109 : f32 to vector<1024x1xf32>
    %gt3A_111 = arith.cmpf ogt, %reshape3A_108, %gt3A_110 : vector<1024x1xf32>
    %and3A_112 = vector.broadcast %gt3A_111 : vector<1024x1xi1> to vector<1024x512xi1>
    %and3A_113 = arith.andi %eq3A_107, %and3A_112 : vector<1024x512xi1>
    %convert_element_type3A_114 = arith.extui %and3A_113 : vector<1024x512xi1> to vector<1024x512xi32>
    %convert_element_type3A_115 = arith.sitofp %convert_element_type3A_114 : vector<1024x512xi32> to vector<1024x512xf32>
    %broadcast_in_dim3A_116 = arith.constant 1.000000e+00 : f32
    %broadcast_in_dim3A_117 = vector.broadcast %broadcast_in_dim3A_116 : f32 to vector<1x1024xf32>
    %get3A_118 = arith.constant 0 : index
    %get3A_119 = arith.constant 0 : index
    %get3A_120 = arith.constant 0 : index
    %get3A_121 = vector.load %arg1[%get3A_118, %get3A_119, %get3A_120] : memref<1x1x1024xf32, #tpu.memory_space<vmem>>, vector<1x1x1024xf32>
    %get3A_122 = vector.shape_cast %get3A_121 : vector<1x1x1024xf32> to vector<1x1024xf32>
    %get3A_123 = arith.constant 0 : index
    %get3A_124 = arith.constant 0 : index
    %get3A_125 = arith.constant 0 : index
    %get3A_126 = vector.load %arg2[%get3A_123, %get3A_124, %get3A_125] : memref<1x1x1024xf32, #tpu.memory_space<vmem>>, vector<1x1x1024xf32>
    %get3A_127 = vector.shape_cast %get3A_126 : vector<1x1x1024xf32> to vector<1x1024xf32>
    %concatenate3A = tpu.concatenate %get3A_122, %get3A_127, %broadcast_in_dim3A_117, %get3A_13, %get3A_18, %get3A_23, %get3A_28, %broadcast_in_dim3A_117 in 0 : vector<1x1024xf32>, vector<1x1024xf32>, vector<1x1024xf32>, vector<1x1024xf32>, vector<1x1024xf32>, vector<1x1024xf32>, vector<1x1024xf32>, vector<1x1024xf32> -> vector<8x1024xf32>
    %dot_general3A_128 = arith.constant dense<0.000000e+00> : vector<8x512xf32>
    %dot_general3A_129 = tpu.matmul %concatenate3A, %convert_element_type3A_115, %dot_general3A_128 {dimension_numbers = #tpu.dot_dimension_numbers<[1], [0], [0], [1], [0, 0, 1, 1], [], []>, precision = #tpu.contract_precision<fp32>, transpose_lhs_hint = false} : vector<8x1024xf32>, vector<1024x512xf32>, vector<8x512xf32> -> vector<8x512xf32>
    %slice3A = vector.extract_strided_slice %dot_general3A_129 {offsets = [7, 0], sizes = [1, 512], strides = [1, 1]} : vector<8x512xf32> to vector<1x512xf32>
    %slice3A_130 = vector.extract_strided_slice %dot_general3A_129 {offsets = [0, 0], sizes = [1, 512], strides = [1, 1]} : vector<8x512xf32> to vector<1x512xf32>
    %add3A_131 = arith.addf %slice3A_130, %slice3A : vector<1x512xf32>
    %sub3A_132 = arith.constant 1.000000e+00 : f32
    %sub3A_133 = vector.broadcast %sub3A_132 : f32 to vector<1x512xf32>
    %sub3A_134 = arith.subf %add3A_131, %sub3A_133 : vector<1x512xf32>
    %swap3A_135 = arith.constant 0 : index
    %swap3A_136 = arith.constant 0 : index
    %swap3A_137 = arith.constant 0 : index
    %swap3A_138 = vector.load %arg4[%swap3A_135, %swap3A_136, %swap3A_137] : memref<1x1x512xf32, #tpu.memory_space<vmem>>, vector<1x1x512xf32>
    %swap3A_139 = vector.shape_cast %swap3A_138 : vector<1x1x512xf32> to vector<1x512xf32>
    %swap3A_140 = vector.shape_cast %sub3A_134 : vector<1x512xf32> to vector<1x1x512xf32>
    tpu.vector_store %arg4[%swap3A_135, %swap3A_136, %swap3A_137], %swap3A_140 {strides = array<i32>} : memref<1x1x512xf32, #tpu.memory_space<vmem>>, vector<1x1x512xf32>,
    %slice3A_141 = vector.extract_strided_slice %dot_general3A_129 {offsets = [1, 0], sizes = [1, 512], strides = [1, 1]} : vector<8x512xf32> to vector<1x512xf32>
    %add3A_142 = arith.addf %slice3A_141, %slice3A : vector<1x512xf32>
    %sub3A_143 = arith.constant 1.000000e+00 : f32
    %sub3A_144 = vector.broadcast %sub3A_143 : f32 to vector<1x512xf32>
    %sub3A_145 = arith.subf %add3A_142, %sub3A_144 : vector<1x512xf32>
    %swap3A_146 = arith.constant 0 : index
    %swap3A_147 = arith.constant 0 : index
    %swap3A_148 = arith.constant 0 : index
    %swap3A_149 = vector.load %arg5[%swap3A_146, %swap3A_147, %swap3A_148] : memref<1x1x512xf32, #tpu.memory_space<vmem>>, vector<1x1x512xf32>
    %swap3A_150 = vector.shape_cast %swap3A_149 : vector<1x1x512xf32> to vector<1x512xf32>
    %swap3A_151 = vector.shape_cast %sub3A_145 : vector<1x512xf32> to vector<1x1x512xf32>
    tpu.vector_store %arg5[%swap3A_146, %swap3A_147, %swap3A_148], %swap3A_151 {strides = array<i32>} : memref<1x1x512xf32, #tpu.memory_space<vmem>>, vector<1x1x512xf32>,
    %slice3A_152 = vector.extract_strided_slice %dot_general3A_129 {offsets = [3, 0], sizes = [4, 512], strides = [1, 1]} : vector<8x512xf32> to vector<4x512xf32>
    %swap3A_153 = arith.constant 0 : index
    %swap3A_154 = arith.constant 0 : index
    %swap3A_155 = arith.constant 0 : index
    %swap3A_156 = vector.load %arg6[%swap3A_153, %swap3A_154, %swap3A_155] : memref<1x4x512xf32, #tpu.memory_space<vmem>>, vector<1x4x512xf32>
    %swap3A_157 = vector.shape_cast %swap3A_156 : vector<1x4x512xf32> to vector<4x512xf32>
    %swap3A_158 = vector.shape_cast %slice3A_152 : vector<4x512xf32> to vector<1x4x512xf32>
    tpu.vector_store %arg6[%swap3A_153, %swap3A_154, %swap3A_155], %swap3A_158 {strides = array<i32>} : memref<1x4x512xf32, #tpu.memory_space<vmem>>, vector<1x4x512xf32>,
    return
  }
  func.func @transform_0(%arg0: i32) -> (i32, i32, i32) {
    %c0_i32 = arith.constant 0 : i32
    %c0_i32_0 = arith.constant 0 : i32
    %c0_i32_1 = arith.constant 0 : i32
    return %arg0, %c0_i32, %c0_i32_0 : i32, i32, i32
  }
  func.func @transform_1(%arg0: i32) -> (i32, i32, i32) {
    %c0_i32 = arith.constant 0 : i32
    %c0_i32_0 = arith.constant 0 : i32
    %c0_i32_1 = arith.constant 0 : i32
    return %arg0, %c0_i32, %c0_i32_0 : i32, i32, i32
  }
  func.func @transform_2(%arg0: i32) -> (i32, i32, i32) {
    %c0_i32 = arith.constant 0 : i32
    %c0_i32_0 = arith.constant 0 : i32
    %c0_i32_1 = arith.constant 0 : i32
    return %arg0, %c0_i32, %c0_i32_0 : i32, i32, i32
  }
  func.func @transform_3(%arg0: i32) -> (i32, i32, i32) {
    %c0_i32 = arith.constant 0 : i32
    %c0_i32_0 = arith.constant 0 : i32
    %c0_i32_1 = arith.constant 0 : i32
    return %arg0, %c0_i32, %c0_i32_0 : i32, i32, i32
  }
  func.func @transform_4(%arg0: i32) -> (i32, i32, i32) {
    %c0_i32 = arith.constant 0 : i32
    %c0_i32_0 = arith.constant 0 : i32
    %c0_i32_1 = arith.constant 0 : i32
    return %arg0, %c0_i32, %c0_i32_0 : i32, i32, i32
  }
  func.func @transform_5(%arg0: i32) -> (i32, i32, i32) {
    %c0_i32 = arith.constant 0 : i32
    %c0_i32_0 = arith.constant 0 : i32
    %c0_i32_1 = arith.constant 0 : i32
    return %arg0, %c0_i32, %c0_i32_0 : i32, i32, i32
  }
}

</mosaic_0001>

<sc_bundles>
// kernel: kernel.4.cloned.1.call-start
scs
__scs_entry_jumppad:
0x0: {  	(pc) =	sbr.rel $0x88, $3  }
0x1: {  	(tag) =	ssettag $0x0;
	lr =	simm.s32 $0x1  }
0x2: {  	[smem:$0x3F97] =	sst lr;
	_ =	strace $0xD0000000  }
0x3: {  	_ = 	snop  }
0x4: {  	_ = 	snop  }
0x5: {  	_ = 	snop  }
0x6: {  	_ = 	snop  }
0x7: {  	_ = 	snop  }
__scs_overlays_trampoline_lowered:
0x8: {  	[smem:$0x3FA6] =	sst s0  }
0x9: {  	[smem:$0x3FA7] =	sst s1  }
0xa: {  	[smem:$0x3FA8] =	sst s2  }
0xb: {  	[smem:$0x3FA9] =	sst s3  }
0xc: {  	[smem:$0x3FAA] =	sst s4  }
0xd: {  	[smem:$0x3FAB] =	sst s5  }
0xe: {  	[smem:$0x3FAC] =	sst s6  }
0xf: {  	[smem:$0x3FAD] =	sst s7  }
0x10: {  	[smem:$0x3FAE] =	sst s8  }
0x11: {  	[smem:$0x3FAF] =	sst s9;
	s0 =	simm.s32 @!p0 $0x0  }
0x12: {  	s1 =	sld [smem:$0x3F95];
	s0 =	simm.s32 @p0 $0x1  }
0x13: {  	[smem:$0x3FB0] =	sst s0;
	s0 =	simm.s32 @!p1 $0x0  }
0x14: {  	s2 =	sld [smem:$0x3F94];
	s0 =	simm.s32 @p1 $0x1  }
0x15: {  	[smem:$0x3FB1] =	sst s0;
	s0 =	simm.s32 @!p2 $0x0  }
0x16: {  	s3 =	sld [smem:$0x3FDB];
	s0 =	simm.s32 @p2 $0x1  }
0x17: {  	s4 =	simm.s32 $0x1BF5;
	[smem:$0x3FB3] =	sst s0  }
0x18: {  	s0 =	sld [smem:$0x3F96];
	_ =	swait.ge [sflag:s4], $0x0  }
0x19: {  	s7 =	sld [smem:$0x3F97]  }
0x1a: {  	s8 =	sadd.s32 $0xFFFFE003, lr  }
0x1b: {  	s9 =	sadd.s32 $0xFFFFFEF7, lr;
	s5 =	simm.s32 $0xFFFFFFFF;
	p2 =	slt.u32 s8, $0xFFFFF086  }
0x1c: {  	p1 =	slt.u32 s9, $0xF7A;
	s5 =	simm.s32 @!p2 $0x0  }
0x1d: {  	s5 =	simm.s32 @p1 $0x1;
	p0 =	seq.s32 s7, s2  }
0x1e: {  	s7 =	smul.u32 @!p0 $0xF7A, s2;
	p2 =	seq.s32 @!p0 s5, $0x0  }
0x1f: {  	s9 =	smul.u32 $0xF7A, s1;
	s8 =	simm.s32 @!p0 $0x1BF5;
	p2 =	por !p2, p0  }
0x20: {  	[sflag:s8] =	ssyncset.s32 @!p0 $0xFFFFF086;
	s6 =	sadd.s32 @!p0 s3, s7;
	s7 =	simm.s32 @!p0 $0x108  }
0x21: {  	s3 =	sadd.s32 s3, s9;
	s6 =	sadd.s32 @!p0 $0x88, s6;
	s7 =	simm.s32 @p2 $0x1082  }
0x22: {  	[simem:s7], [sflag:s8] =	dma.local @!p0 [hbm:s6], $0xF7A  }
0x23: {  	s9 =	sor.u32 $0xD0000000, s2;
	s6 =	simm.s32 $0x108;
	_ =	swait.ge @!p0 [sflag:s8], $0x0  }
0x24: {  	s3 =	sadd.s32 $0x88, s3;
	s6 =	simm.s32 @!p1 $0x1082;
	[sflag:s4] =	ssyncset.s32 $0xFFFFF086  }
0x25: {  	[simem:s6], [sflag:s4] =	dma.local [hbm:s3], $0xF7A  }
0x26: {  	[smem:$0x3F97] =	sst s1;
	(tag) =	ssettag s2;
	_ =	strace s9  }
0x27: {  	s1 =	sld [smem:$0x3FA7]  }
0x28: {  	s2 =	sld [smem:$0x3FA8]  }
0x29: {  	s4 =	sld [smem:$0x3FAA]  }
0x2a: {  	p0 =	seq.s32 s5, $0x0;
	s5 =	sld [smem:$0x3FAB]  }
0x2b: {  	s6 =	sld [smem:$0x3FAC]  }
0x2c: {  	s7 =	sld [smem:$0x3FAD]  }
0x2d: {  	s3 =	simm.s32 $0x108;
	s8 =	sld [smem:$0x3FAE]  }
0x2e: {  	s3 =	simm.s32 @!p0 $0x1082;
	s9 =	sld [smem:$0x3FAF]  }
0x2f: {  	lr =	sadd.s32 s0, s3;
	s0 =	sld [smem:$0x3FA6]  }
0x30: {  	s3 =	sld [smem:$0x3FA9]  }
0x31: {  	[smem:$0x3FB2] =	sst s10  }
0x32: {  	s10 =	sld [smem:$0x3FB0];
	_ =	sdelay $0x3  }
0x33: {  	p0 =	seq.s32 s10, $0x1;
	s10 =	sld [smem:$0x3FB2];
	_ =	sdelay $0x3  }
0x34: {  	[smem:$0x3FB2] =	sst s10  }
0x35: {  	s10 =	sld [smem:$0x3FB1];
	_ =	sdelay $0x3  }
0x36: {  	p1 =	seq.s32 s10, $0x1;
	s10 =	sld [smem:$0x3FB2];
	_ =	sdelay $0x3  }
0x37: {  	[smem:$0x3FB2] =	sst s10  }
0x38: {  	s10 =	sld [smem:$0x3FB3]  }
0x39: {  	_ = 	snop;
	(pc) =	sbr.ind lr, $3  }
0x3a: {  	_ = 	snop  }
0x3b: {  	_ = 	snop  }
0x3c: {  	p2 =	seq.s32 s10, $0x1;
	s10 =	sld [smem:$0x3FB2]  }
0x3d: {  	_ =	shalt  }
0x3e: {  	_ =	shalt  }
0x3f: {  	_ =	shalt  }
0x40: {  	_ =	shalt  }
0x41: {  	_ =	shalt  }
0x42: {  	_ =	shalt  }
0x43: {  	_ =	shalt  }
0x44: {  	_ =	shalt  }
0x45: {  	_ =	shalt  }
0x46: {  	_ =	shalt  }
0x47: {  	_ =	shalt  }
0x48: {  	_ =	shalt  }
0x49: {  	_ =	shalt  }
0x4a: {  	_ =	shalt  }
0x4b: {  	_ =	shalt  }
0x4c: {  	_ =	shalt  }
0x4d: {  	_ =	shalt  }
0x4e: {  	_ =	shalt  }
0x4f: {  	_ =	shalt  }
0x50: {  	_ =	shalt  }
0x51: {  	_ =	shalt  }
0x52: {  	_ =	shalt  }
0x53: {  	_ =	shalt  }
0x54: {  	_ =	shalt  }
0x55: {  	_ =	shalt  }
0x56: {  	_ =	shalt  }
0x57: {  	_ =	shalt  }
0x58: {  	_ =	shalt  }
0x59: {  	_ =	shalt  }
0x5a: {  	_ =	shalt  }
0x5b: {  	_ =	shalt  }
0x5c: {  	_ =	shalt  }
0x5d: {  	_ =	shalt  }
0x5e: {  	_ =	shalt  }
0x5f: {  	_ =	shalt  }
0x60: {  	_ =	shalt  }
0x61: {  	_ =	shalt  }
0x62: {  	_ =	shalt  }
0x63: {  	_ =	shalt  }
0x64: {  	_ =	shalt  }
0x65: {  	_ =	shalt  }
0x66: {  	_ =	shalt  }
0x67: {  	_ =	shalt  }
0x68: {  	_ =	shalt  }
0x69: {  	_ =	shalt  }
0x6a: {  	_ =	shalt  }
0x6b: {  	_ =	shalt  }
0x6c: {  	_ =	shalt  }
0x6d: {  	_ =	shalt  }
0x6e: {  	_ =	shalt  }
0x6f: {  	_ =	shalt  }
0x70: {  	_ =	shalt  }
0x71: {  	_ =	shalt  }
0x72: {  	_ =	shalt  }
0x73: {  	_ =	shalt  }
0x74: {  	_ =	shalt  }
0x75: {  	_ =	shalt  }
0x76: {  	_ =	shalt  }
0x77: {  	_ =	shalt  }
0x78: {  	_ =	shalt  }
0x79: {  	_ =	shalt  }
0x7a: {  	_ =	shalt  }
0x7b: {  	_ =	shalt  }
0x7c: {  	_ =	shalt  }
0x7d: {  	_ =	shalt  }
0x7e: {  	_ =	shalt  }
0x7f: {  	_ =	shalt  }
0x80: {  	_ =	shalt  }
0x81: {  	_ =	shalt  }
0x82: {  	_ =	shalt  }
0x83: {  	_ =	shalt  }
0x84: {  	_ =	shalt  }
0x85: {  	_ =	shalt  }
0x86: {  	_ =	shalt  }
0x87: {  	_ =	shalt  }
.Lfunc_end0:
.L_simem_size_0:
called_computation_lowered:
.L_overlay_start_0:
0x88: {  	s2 =	sld [smem:$0x3FD9]  }
0x89: {  	s3 =	sld [smem:$0x3FFE];
	_ =	sdelay $0x1  }
0x8a: {  	s1 =	srdreg.scid  }
0x8b: {  	s0 =	sand.u32 $0x1, s1  }
0x8c: {  	s14 =	sshll.u32 s0, $0xA;
	s2 =	sadd.s32 s3, s2  }
0x8d: {  	s2 =	sadd.s32 s2, s14  }
0x8e: {  	[smem:$0x3FBE] =	sst s2  }
0x8f: {  	_ = 	snop  }
0x90: {  	s2 =	sld [smem:$0x3FD0];
	_ =	sdelay $0x2  }
0x91: {  	s15 =	simm.s32 $0xA;
	s4 =	simm.s32 $0x10  }
0x92: {  	[smem:s4], [sflag:s15] =	dma.local [hbm:s2], $0x1  }
0x93: {  	_ =	swait.eq [sflag:s15], $0x1  }
0x94: {  	[sflag:s15] =	ssyncset.done $0x0  }
0x95: {  	[sflag:s15] =	ssyncadd.s32 $0xFFFFFFFF  }
0x96: {  	s16 =	sld [smem:$0x12];
	(tm) =	ssettm $0x1  }
0x97: {  	s17 =	sld [smem:$0x3FFB];
	_ =	sdelay $0x3  }
0x98: {  	_ =	strace s17  }
0x99: {  	s3 =	sld [smem:$0x3FFC];
	_ =	sdelay $0x3  }
0x9a: {  	_ =	strace s3  }
0x9b: {  	s3 =	sld [smem:$0x3FFD];
	_ =	sdelay $0x3  }
0x9c: {  	_ =	strace s3  }
0x9d: {  	_ =	strace $0x8FFFFFFF  }
0x9e: {  	s18 =	sld [smem:$0x3FDB];
	_ =	sdelay $0x1  }
0x9f: {  	s19 =	simm.s32 $_scs_section_size  }
0xa0: {  	s5 =	simm.s32 $_size__tile_overlayer_lowered;
	s6 =	simm.s32 $_tile_overlayer_lowered  }
0xa1: {  	s22 =	simm.s32 $0x1BFF;
	s21 =	sshll.u32 s6, $0x1;
	s3 =	sadd.s32 s19, s18  }
0xa2: {  	s7 =	simm.s32 $0x0;
	s20 =	sshll.u32 s5, $0x1;
	s5 =	sadd.s32 s21, s3  }
0xa3: {  	[timem:s7], [sflag:s22] =	dma.local [hbm:s5], s20  }
0xa4: {  	_ =	swait.ge [sflag:s22], s20  }
0xa5: {  	s4 =	ssub.s32 $0x0, s20;
	[sflag:s22] =	ssyncset.done $0x0  }
0xa6: {  	[sflag:s22] =	ssyncadd.s32 s4;
	_ =	sdelay $0x1  }
0xa7: {  	s23 =	simm.s32 $0x1B8B  }
0xa8: {  	_ =	swait.ge [sflag:s23], $0x1  }
0xa9: {  	[sflag:s23] =	ssyncset.done $0x0  }
0xaa: {  	s25 =	simm.s32 $0x1B8E;
	s24 =	sld [smem:$0x3FFE];
	[sflag:s23] =	ssyncadd.s32 $0xFFFFFFFF  }
0xab: {  	s26 =	simm.s32 $execute0_lowered;
	[smem:$0x3FD2] =	sst s25  }
0xac: {  	s5 =	sshll.u32 s26, $0x1;
	_ =	strace $0x80000046;
	[dreg:$0x1] =	wrdreg $0xFFFFFFFF  }
0xad: {  	s28 =	simm.s32 $_size_execute0_lowered;
	s3 =	sadd.s32 s3, s5;
	[dreg:$0x0] =	wrdreg $0x0  }
0xae: {  	s5 =	sshll.u32 s28, $0x1;
	[dreg:$0x2] =	wrdreg s3  }
0xaf: {  	[dreg:$0x3] =	wrdreg s5  }
0xb0: {  	[dreg:$0x4] =	wrdreg $0xC0  }
0xb1: {  	_ =	task [dreg:s7], $0x5FFFF  }
0xb2: {  	[dreg:$0x1] =	wrdreg $0xFFFFFFFF  }
0xb3: {  	[dreg:$0x0] =	wrdreg $0x60  }
0xb4: {  	[dreg:$0x2] =	wrdreg s24  }
0xb5: {  	[dreg:$0x3] =	wrdreg s16  }
0xb6: {  	[dreg:$0x4] =	wrdreg $0x9  }
0xb7: {  	_ =	task.clear_ibuf [dreg:s7], $0x5FFFF;
	_ =	strace $0x90000046  }
0xb8: {  	s29 =	simm.s32 $0x9;
	_ =	strace $0x80000048  }
0xb9: {  	_ =	swait.ge [sflag:s29], $0x1  }
0xba: {  	[sflag:s29] =	ssyncadd.s32 $0xFFFFFFFF  }
0xbb: {  	_ =	strace $0x90000048  }
0xbc: {  	_ =	sfence  }
0xbd: {  	s30 =	sld [smem:$0x0];
	_ =	sdelay $0x2  }
0xbe: {  	s31 =	sshll.u32 s1, $0xD;
	s1 =	sshrl.u32 s1, $0x2  }
0xbf: {  	s3 =	sand.u32 $0x4000, s31;
	s1 =	sadd.s32 s1, s30  }
0xc0: {  	s0 =	sor.u32 s3, s0;
	s1 =	sshll.u32 s1, $0x11  }
0xc1: {  	s0 =	sor.u32 s1, s0  }
0xc2: {  	s0 =	sadd.s32 $0x8F2B, s0  }
0xc3: {  	[sflag:s0] =	ssyncadd.remote.s32 $0x1  }
0xc4: {  	_ =	sfence.sel $0xFFFF  }
0xc5: {  	[dreg:$0x0] =	wrdreg $0xFFFFFFFF;
	(pc) =	sbr.abs _section_cstart, $3  }
0xc6: {  	[dreg:$0x1] =	wrdreg $0xFFFFFFFF  }
0xc7: {  	_ =	task.clear_ibuf [dreg:s7], $0x2FFFF;
	_ =	strace $0x9FFFFFFF  }
0xc8: {  	(tm) =	ssettm $0x7FFFFFFF  }
0xc9: {  	_ =	shalt  }
tec
execute0_lowered:
.L_overlay_start_1:
0x0: {  	(tag) =	ssettag $0x1  }
0x1: {  	s1 =	srdreg.scid;
	s9 =	rddreg [dreg:$0x0]  }
0x2: {  	s0 =	stileid.u32;
	s3 =	rddreg [dreg:$0x1]  }
0x3: {  	s2 =	simm.s32 $0x0;
	s7 =	simm.s32 $0x80;
	s6 =	sand.u32 $0x1, s1  }
0x4: {  	s4 =	sshll.u32 s0, $0x7;
	s1 =	rddreg [dreg:$0x2];
	s5 =	sshll.u32 s6, $0x6  }
0x5: {  	s8 =	simm.s32 $0x1;
	[smem:$0x7FF] =	sst s2;
	s10 =	sor.u32 s5, s4  }
0x6: {  	_ =	strace $0x80000047;
	s11 =	ssub.s32 $0x2, s6;
	s4 =	sshrl.u32 s10, $0x3  }
0x7: {  	s6 =	simm.s32 $0x40;
	s4 =	sadd.s32 s3, s4;
	s3 =	simm.s32 $0x2  }
0x8: {  	[tilespmem:s2], [sflag:$0x2] =	stream.linear.gather [hbm4b:s4+s2], $0x40, $0x38;
	[tilespmem:$0x2080] =	vst v63  }
0x9: {  	s5 =	sadd.s32 $0x328C00, s9;
	s12 =	sshrl.u32 s11, $0x1;
	_ =	swait.ge [sflag:s3], $0x40  }
0xa: {  	s10 =	sshll.u32 s10, $0x4;
	s31 =	ssub.s32 s11, s12;
	[sflag:s3] =	ssyncset.done $0x0  }
0xb: {  	s9 =	sadd.s32 s10, s9;
	s10 =	smax.u32 s31, $0x1;
	[sflag:s3] =	ssyncadd.s32 $0xFFFFFFC0  }
0xc: {  	[tilespmem:s7], [sflag:$0x1] =	stream.indirect.gather [hbm4b:s5+s6], $0x80, s2, s6, $0xb8;
	[tilespmem:$0x2080] =	vst v63  }
0xd: {  	p0 =	sne.s32 s10, $0x1;
	_ =	swait.ge [sflag:s8], $0x2000  }
.Ltmp0:
0xe: {  	[sflag:s8] =	ssyncset.done $0x0;
	(pc) =	sbr.rel @!p0 .LBB2_2-.Ltmp0, $4  }
0xf: {  	s9 =	sadd.s32 $0xC00, s9;
	[sflag:s8] =	ssyncadd.s32 $0xFFFFE000  }
0x10: {  	[hbm4b:s9+s2] =	stream.linear.scatter [tilespmem:s7], [sflag:$0x2], $0x2000, $0x38;
	[tilespmem:$0x2080] =	vst v63  }
0x11: {  	_ =	swait.ge [sflag:s3], $0x2000  }
0x12: {  	s10 =	sadd.s32 $0xFFFFFFFF, s10;
	[sflag:s3] =	ssyncset.done $0x0  }
.LBB2_1:
0x13: {  	p0 =	sne.s32 s10, $0x1;
	s10 =	sadd.s32 $0xFFFFFFFF, s10;
	[sflag:s3] =	ssyncadd.s32 $0xFFFFE000  }
0x14: {  	[tilespmem:s2], [sflag:$0x2] =	stream.linear.gather [hbm4b:s4+s2], $0x40, $0x38;
	[tilespmem:$0x2080] =	vst v63  }
0x15: {  	_ =	swait.ge [sflag:s3], $0x40  }
0x16: {  	[sflag:s3] =	ssyncset.done $0x0  }
0x17: {  	[sflag:s3] =	ssyncadd.s32 $0xFFFFFFC0  }
0x18: {  	[tilespmem:s7], [sflag:$0x1] =	stream.indirect.gather [hbm4b:s5+s6], $0x80, s2, s6, $0xb8;
	[tilespmem:$0x2080] =	vst v63  }
0x19: {  	_ =	swait.ge [sflag:s8], $0x2000  }
.Ltmp1:
0x1a: {  	[sflag:s8] =	ssyncset.done $0x0;
	(pc) =	sbr.rel @p0 .LBB2_1-.Ltmp1, $4  }
0x1b: {  	[sflag:s8] =	ssyncadd.s32 $0xFFFFE000  }
0x1c: {  	[hbm4b:s9+s2] =	stream.linear.scatter [tilespmem:s7], [sflag:$0x2], $0x2000, $0x38;
	[tilespmem:$0x2080] =	vst v63  }
0x1d: {  	_ =	swait.ge [sflag:s3], $0x2000  }
0x1e: {  	[sflag:s3] =	ssyncset.done $0x0  }
.LBB2_2:
0x1f: {  	[sflag:s3] =	ssyncadd.s32 $0xFFFFE000  }
0x20: {  	_ =	sfence.sel $0x180000  }
0x21: {  	[bflag:$0x0] =	sbarrier.arrive $0xFFFF  }
0x22: {  	p0 =	sne.s32 s0, $0x0;
	_ =	strace $0x90000047  }
0x23: {  	s0 =	sadd.s32 @!p0 $0x100000, s1;
	[bflag:$0x2] =	sbarrier.arrive $0xFFFF  }
0x24: {  	[sflag:s0] =	ssyncadd.tile.s32 @!p0 $0x1;
	_ =	shalt  }
.Lfunc_end2:
_tile_overlayer_lowered:
.L_overlay_start_2:
0x25: {  	(tag) =	ssettag $0x2  }
0x26: {  	s0 =	rddreg [dreg:$0x0];
	s2 =	stileid.u32  }
0x27: {  	s1 =	rddreg [dreg:$0x1];
	p0 =	sne.s32 s2, $0x0  }
0x28: {  	s3 =	rddreg [dreg:$0x2];
	[bflag:$0x3] =	sbarrier.arrive $0xFFFF;
	s2 =	simm.s32 @!p0 $0x1C02  }
0x29: {  	[timem:s3], [sflag:s2] =	dma.local @!p0 [hbm:s0], s1  }
0x2a: {  	s0 =	simm.s32 @!p0 $0x2  }
0x2b: {  	_ =	swait.ge @!p0 [sflag:s0], s1  }
0x2c: {  	s1 =	ssub.s32 @!p0 $0x0, s1;
	[sflag:s0] =	ssyncset.done @!p0 $0x0  }
0x2d: {  	[sflag:s0] =	ssyncadd.s32 @!p0 s1  }
0x2e: {  	[bflag:$0x3] =	sbarrier.arrive $0xFFFF  }
0x2f: {  	_ =	shalt  }

</sc_bundles>
